<compile_context>
chip_gen: v7x
topology: tpu7x:2x2x1
jax: 0.10.2.dev20260603
libtpu: 0.0.44.dev20260713+nightly
codegen_flags: <defaults>
</compile_context>

<pallas_src>
import functools

import jax
import jax.numpy as jnp
from jax import lax
from jax.experimental import pallas as pl
from jax.experimental.pallas import tpu as pltpu
from jax.experimental.pallas import tpu_sc as plsc

_NC = 2
_NS = 16
_NW = _NC * _NS

_ROWS_PER_DMA = 320
_DMAS_IN_FLIGHT = 4



def _gather_body(table_hbm, idx_hbm, out_hbm, idx_v, rows_v, sem):
    n_rows = idx_hbm.shape[0]
    rows_per_w = n_rows // _NW
    k = _DMAS_IN_FLIGHT
    buf_rows = k * _ROWS_PER_DMA
    n_outer = rows_per_w // buf_rows

    c = lax.axis_index("c")
    s = lax.axis_index("s")
    wid = s * _NC + c

    def outer(oc, carry):
        row0 = wid * rows_per_w + oc * buf_rows
        pltpu.sync_copy(idx_hbm.at[pl.ds(row0, buf_rows)], idx_v)
        descs = []
        for j in range(k):
            descs.append(
                pltpu.async_copy(
                    table_hbm.at[idx_v.at[pl.ds(j * _ROWS_PER_DMA,
                                                _ROWS_PER_DMA)]],
                    rows_v.at[pl.ds(j * _ROWS_PER_DMA, _ROWS_PER_DMA)],
                    sem,
                )
            )
        for d in descs:
            d.wait()
        pltpu.sync_copy(rows_v, out_hbm.at[pl.ds(row0, buf_rows)])
        return carry

    lax.fori_loop(0, n_outer, outer, 0)


def _sc_gather(table, idx_flat):
    n = idx_flat.shape[0]
    e = table.shape[1]
    mesh = plsc.VectorSubcoreMesh(
        core_axis_name="c", subcore_axis_name="s",
        num_cores=_NC, num_subcores=_NS,
    )
    buf_rows = _DMAS_IN_FLIGHT * _ROWS_PER_DMA
    run = pl.kernel(
        _gather_body,
        out_type=jax.ShapeDtypeStruct((n, e), jnp.float32),
        mesh=mesh,
        scratch_types=[
            pltpu.VMEM((buf_rows,), jnp.int32),
            pltpu.VMEM((buf_rows, e), jnp.float32),
            pltpu.SemaphoreType.DMA,
        ],
        compiler_params=pltpu.CompilerParams(use_tc_tiling_on_sc=False),
    )
    return run(table, idx_flat)



def _lstm_dir(x, Wih, Whh, bih, bhh, reverse):
    bb = x.shape[0]
    hh = Whh.shape[1]
    xs = jnp.swapaxes(x, 0, 1)
    if reverse:
        xs = xs[::-1]

    def step(carry, xt):
        h, c = carry
        gates = xt @ Wih.T + h @ Whh.T + bih + bhh
        i_g, f_g, g_g, o_g = jnp.split(gates, 4, axis=-1)
        i_g = jax.nn.sigmoid(i_g)
        f_g = jax.nn.sigmoid(f_g)
        g_g = jnp.tanh(g_g)
        o_g = jax.nn.sigmoid(o_g)
        c = f_g * c + i_g * g_g
        h = o_g * jnp.tanh(c)
        return (h, c), h

    h0 = jnp.zeros((bb, hh), x.dtype)
    c0 = jnp.zeros((bb, hh), x.dtype)
    _, hs = lax.scan(step, (h0, c0), xs)
    if reverse:
        hs = hs[::-1]
    return jnp.swapaxes(hs, 0, 1)



def kernel(xs, table,
           Wih_l0_f, Whh_l0_f, bih_l0_f, bhh_l0_f,
           Wih_l0_b, Whh_l0_b, bih_l0_b, bhh_l0_b,
           Wih_l1_f, Whh_l1_f, bih_l1_f, bhh_l1_f,
           Wih_l1_b, Whh_l1_b, bih_l1_b, bhh_l1_b):
    b, t_len = xs.shape
    e = table.shape[1]

    w = {
        'Wih_l0_f': Wih_l0_f, 'Whh_l0_f': Whh_l0_f, 'bih_l0_f': bih_l0_f, 'bhh_l0_f': bhh_l0_f,
        'Wih_l0_b': Wih_l0_b, 'Whh_l0_b': Whh_l0_b, 'bih_l0_b': bih_l0_b, 'bhh_l0_b': bhh_l0_b,
        'Wih_l1_f': Wih_l1_f, 'Whh_l1_f': Whh_l1_f, 'bih_l1_f': bih_l1_f, 'bhh_l1_f': bhh_l1_f,
        'Wih_l1_b': Wih_l1_b, 'Whh_l1_b': Whh_l1_b, 'bih_l1_b': bih_l1_b, 'bhh_l1_b': bhh_l1_b,
    }

    idx_flat = xs.reshape(b * t_len)
    emb = _sc_gather(table, idx_flat).reshape(b, t_len, e)

    h = emb
    for l in (0, 1):
        f = _lstm_dir(h, w['Wih_l%d_f' % l], w['Whh_l%d_f' % l],
                      w['bih_l%d_f' % l], w['bhh_l%d_f' % l], False)
        bwd = _lstm_dir(h, w['Wih_l%d_b' % l], w['Whh_l%d_b' % l],
                        w['bih_l%d_b' % l], w['bhh_l%d_b' % l], True)
        h = jnp.concatenate([f, bwd], axis=-1)
    return jnp.concatenate([jnp.mean(h, axis=1), jnp.max(h, axis=1)], axis=1)

# --- scband reference (transcript-rebuilt; emitter-appended) ---
"""Pipeline reference for scband-lstmextractor-7954279432925 (READ-ONLY COPY).

The authoritative reference and input builder live on the scoring server;
editing this copy changes nothing except your own understanding.
"""

import jax, jax.numpy as jnp
import numpy as np

V, E, H, B, T = 1000000, 64, 64, 4096, 50


def setup_inputs(seed: int = 0):
    key = jax.random.key(seed)
    ks = jax.random.split(key, 20)
    inp = {}
    inp['xs'] = jax.random.randint(ks[0], (B, T), 0, V, dtype=jnp.int32)
    inp['table'] = jax.random.normal(ks[1], (V, E), dtype=jnp.float32) * 0.1
    dims = {0: E, 1: 2 * H}
    i = 2
    for l in (0, 1):
        for d in ('f', 'b'):
            inp['Wih_l%d_%s' % (l, d)] = jax.random.normal(ks[i], (4 * H, dims[l]), dtype=jnp.float32) * 0.05
            i += 1
            inp['Whh_l%d_%s' % (l, d)] = jax.random.normal(ks[i], (4 * H, H), dtype=jnp.float32) * 0.05
            i += 1
            inp['bih_l%d_%s' % (l, d)] = jnp.zeros((4 * H,), jnp.float32)
            inp['bhh_l%d_%s' % (l, d)] = jnp.zeros((4 * H,), jnp.float32)
    return inp


def _lstm_dir(x, Wih, Whh, bih, bhh, reverse):
    # x: [B, T, D] -> hs: [B, T, H]; PyTorch gate order i, f, g, o
    Bb = x.shape[0]
    Hh = Whh.shape[1]
    xs = jnp.swapaxes(x, 0, 1)  # [T, B, D]
    if reverse:
        xs = xs[::-1]

    def step(carry, xt):
        h, c = carry
        gates = xt @ Wih.T + h @ Whh.T + bih + bhh
        i_g, f_g, g_g, o_g = jnp.split(gates, 4, axis=-1)
        i_g = jax.nn.sigmoid(i_g)
        f_g = jax.nn.sigmoid(f_g)
        g_g = jnp.tanh(g_g)
        o_g = jax.nn.sigmoid(o_g)
        c = f_g * c + i_g * g_g
        h = o_g * jnp.tanh(c)
        return (h, c), h

    h0 = jnp.zeros((Bb, Hh), x.dtype)
    c0 = jnp.zeros((Bb, Hh), x.dtype)
    _, hs = jax.lax.scan(step, (h0, c0), xs)
    if reverse:
        hs = hs[::-1]
    return jnp.swapaxes(hs, 0, 1)


def reference(xs, table,
              Wih_l0_f, Whh_l0_f, bih_l0_f, bhh_l0_f,
              Wih_l0_b, Whh_l0_b, bih_l0_b, bhh_l0_b,
              Wih_l1_f, Whh_l1_f, bih_l1_f, bhh_l1_f,
              Wih_l1_b, Whh_l1_b, bih_l1_b, bhh_l1_b):
    w = {
        'Wih_l0_f': Wih_l0_f, 'Whh_l0_f': Whh_l0_f, 'bih_l0_f': bih_l0_f, 'bhh_l0_f': bhh_l0_f,
        'Wih_l0_b': Wih_l0_b, 'Whh_l0_b': Whh_l0_b, 'bih_l0_b': bih_l0_b, 'bhh_l0_b': bhh_l0_b,
        'Wih_l1_f': Wih_l1_f, 'Whh_l1_f': Whh_l1_f, 'bih_l1_f': bih_l1_f, 'bhh_l1_f': bhh_l1_f,
        'Wih_l1_b': Wih_l1_b, 'Whh_l1_b': Whh_l1_b, 'bih_l1_b': bih_l1_b, 'bhh_l1_b': bhh_l1_b,
    }
    # frozen embedding lookup (SparseCore gather)
    emb = jnp.take(table, xs, axis=0)  # [B, T, E]
    h = emb
    for l in (0, 1):
        f = _lstm_dir(h, w['Wih_l%d_f' % l], w['Whh_l%d_f' % l], w['bih_l%d_f' % l], w['bhh_l%d_f' % l], False)
        b = _lstm_dir(h, w['Wih_l%d_b' % l], w['Whh_l%d_b' % l], w['bih_l%d_b' % l], w['bhh_l%d_b' % l], True)
        h = jnp.concatenate([f, b], axis=-1)
    return jnp.concatenate([jnp.mean(h, axis=1), jnp.max(h, axis=1)], axis=1)

if __name__ == "__main__":
    import jax
    _d = setup_inputs()
    print(jax.jit(kernel)(*tuple(_d.values())))

</pallas_src>

<mosaic_0001>
#map = affine_map<(d0, d1) -> (0, 0)>
#map1 = affine_map<(d0, d1) -> (0)>
module attributes {stable_mosaic.version = 14 : i64} {
  func.func @_gather_body(%arg0: i32, %arg1: i32, %arg2: memref<1000000x64xf32, #tpu.memory_space<hbm>>, %arg3: memref<204800xi32, #tpu.memory_space<hbm>>, %arg4: memref<204800x64xf32, #tpu.memory_space<hbm>>, %arg5: memref<1280xi32, #tpu.memory_space<vmem>>, %arg6: memref<1280x64xf32, #tpu.memory_space<vmem>>, %arg7: memref<!tpu.dma_semaphore, #tpu.memory_space<semaphore_mem>>) attributes {dimension_semantics = [#tpu.dimension_semantics<core_parallel>, #tpu.dimension_semantics<subcore_parallel>], iteration_bounds = array<i64: 2, 16>, scalar_prefetch = 0 : i64, scratch_operands = 3 : i64, tpu.core_type = #tpu.core_type<sc_vector_subcore>, window_params = [{transform_indices = #map}, {transform_indices = #map1}, {transform_indices = #map}]} {
    %mul3A = arith.constant 2 : i32
    %mul3A_0 = arith.muli %arg1, %mul3A : i32
    %add3A = arith.addi %mul3A_0, %arg0 : i32
    %scan3A = arith.constant 0 : i32
    %scan3A_1 = arith.constant 0 : i32
    %scan3A_2 = arith.constant 5 : i32
    %scan3A_3 = arith.addi %scan3A_1, %scan3A_2 : i32
    %scan3A_4 = arith.constant 1 : i32
    scf.for %scan3A_6 = %scan3A_1 to %scan3A_3 step %scan3A_4  : i32 {
      %mul3A_7 = arith.constant 6400 : i32
      %mul3A_8 = arith.muli %add3A, %mul3A_7 : i32
      %mul3A_9 = arith.constant 1280 : i32
      %mul3A_10 = arith.muli %scan3A_6, %mul3A_9 : i32
      %add3A_11 = arith.addi %mul3A_8, %mul3A_10 : i32
      "tpu.region"() ({
        %run_scoped3A = tpu.sem_alloc : memref<!tpu.dma_semaphore, #tpu.memory_space<semaphore_mem>>
        %dma_start3A_74 = tpu.memref_slice %arg3[%add3A_11] : memref<204800xi32, #tpu.memory_space<hbm>> -> memref<1280xi32, #tpu.memory_space<hbm>>
        %dma_start3A_75 = tpu.memref_slice %arg3[%add3A_11] : memref<204800xi32, #tpu.memory_space<hbm>> -> memref<1280xi32, #tpu.memory_space<hbm>>
        tpu.enqueue_dma source(%dma_start3A_75 : memref<1280xi32, #tpu.memory_space<hbm>>) target(%arg5 : memref<1280xi32, #tpu.memory_space<vmem>>) target_semaphore(%run_scoped3A : memref<!tpu.dma_semaphore, #tpu.memory_space<semaphore_mem>>)
        %dma_wait3A_76 = tpu.memref_slice %arg3[%add3A_11] : memref<204800xi32, #tpu.memory_space<hbm>> -> memref<1280xi32, #tpu.memory_space<hbm>>
        %dma_wait3A_77 = tpu.memref_slice %arg3[%add3A_11] : memref<204800xi32, #tpu.memory_space<hbm>> -> memref<1280xi32, #tpu.memory_space<hbm>>
        tpu.wait_dma2 semaphore(%run_scoped3A : memref<!tpu.dma_semaphore, #tpu.memory_space<semaphore_mem>>) src(%dma_wait3A_77 : memref<1280xi32, #tpu.memory_space<hbm>>) dst(%arg5 : memref<1280xi32, #tpu.memory_space<vmem>>)
        tpu.yield
      }) : () -> ()
      %dma_start3A = arith.constant 0 : i32
      %dma_start3A_12 = arith.constant 0 : i32
      %dma_start3A_13 = tpu.memref_slice %arg6[%dma_start3A, %dma_start3A_12] : memref<1280x64xf32, #tpu.memory_space<vmem>> -> memref<320x64xf32, #tpu.memory_space<vmem>>
      %dma_start3A_14 = arith.constant 0 : i32
      %dma_start3A_15 = tpu.memref_slice %arg5[%dma_start3A_14] : memref<1280xi32, #tpu.memory_space<vmem>> -> memref<320xi32, #tpu.memory_space<vmem>>
      %dma_start3A_16 = arith.constant 0 : i32
      %dma_start3A_17 = arith.constant 0 : i32
      %dma_start3A_18 = tpu.memref_slice %arg2[%dma_start3A_16, %dma_start3A_17] : memref<1000000x64xf32, #tpu.memory_space<hbm>> -> memref<1000000x64xf32, #tpu.memory_space<hbm>>
      tpu.enqueue_indirect_dma source(%dma_start3A_18 : memref<1000000x64xf32, #tpu.memory_space<hbm>>) target(%dma_start3A_13 : memref<320x64xf32, #tpu.memory_space<vmem>>) offsets(%dma_start3A_15 : memref<320xi32, #tpu.memory_space<vmem>>) semaphore(%arg7 : memref<!tpu.dma_semaphore, #tpu.memory_space<semaphore_mem>>)
      %dma_start3A_19 = arith.constant 320 : i32
      %dma_start3A_20 = arith.constant 0 : i32
      %dma_start3A_21 = tpu.memref_slice %arg6[%dma_start3A_19, %dma_start3A_20] : memref<1280x64xf32, #tpu.memory_space<vmem>> -> memref<320x64xf32, #tpu.memory_space<vmem>>
      %dma_start3A_22 = arith.constant 320 : i32
      %dma_start3A_23 = tpu.memref_slice %arg5[%dma_start3A_22] : memref<1280xi32, #tpu.memory_space<vmem>> -> memref<320xi32, #tpu.memory_space<vmem>>
      %dma_start3A_24 = arith.constant 0 : i32
      %dma_start3A_25 = arith.constant 0 : i32
      %dma_start3A_26 = tpu.memref_slice %arg2[%dma_start3A_24, %dma_start3A_25] : memref<1000000x64xf32, #tpu.memory_space<hbm>> -> memref<1000000x64xf32, #tpu.memory_space<hbm>>
      tpu.enqueue_indirect_dma source(%dma_start3A_26 : memref<1000000x64xf32, #tpu.memory_space<hbm>>) target(%dma_start3A_21 : memref<320x64xf32, #tpu.memory_space<vmem>>) offsets(%dma_start3A_23 : memref<320xi32, #tpu.memory_space<vmem>>) semaphore(%arg7 : memref<!tpu.dma_semaphore, #tpu.memory_space<semaphore_mem>>)
      %dma_start3A_27 = arith.constant 640 : i32
      %dma_start3A_28 = arith.constant 0 : i32
      %dma_start3A_29 = tpu.memref_slice %arg6[%dma_start3A_27, %dma_start3A_28] : memref<1280x64xf32, #tpu.memory_space<vmem>> -> memref<320x64xf32, #tpu.memory_space<vmem>>
      %dma_start3A_30 = arith.constant 640 : i32
      %dma_start3A_31 = tpu.memref_slice %arg5[%dma_start3A_30] : memref<1280xi32, #tpu.memory_space<vmem>> -> memref<320xi32, #tpu.memory_space<vmem>>
      %dma_start3A_32 = arith.constant 0 : i32
      %dma_start3A_33 = arith.constant 0 : i32
      %dma_start3A_34 = tpu.memref_slice %arg2[%dma_start3A_32, %dma_start3A_33] : memref<1000000x64xf32, #tpu.memory_space<hbm>> -> memref<1000000x64xf32, #tpu.memory_space<hbm>>
      tpu.enqueue_indirect_dma source(%dma_start3A_34 : memref<1000000x64xf32, #tpu.memory_space<hbm>>) target(%dma_start3A_29 : memref<320x64xf32, #tpu.memory_space<vmem>>) offsets(%dma_start3A_31 : memref<320xi32, #tpu.memory_space<vmem>>) semaphore(%arg7 : memref<!tpu.dma_semaphore, #tpu.memory_space<semaphore_mem>>)
      %dma_start3A_35 = arith.constant 960 : i32
      %dma_start3A_36 = arith.constant 0 : i32
      %dma_start3A_37 = tpu.memref_slice %arg6[%dma_start3A_35, %dma_start3A_36] : memref<1280x64xf32, #tpu.memory_space<vmem>> -> memref<320x64xf32, #tpu.memory_space<vmem>>
      %dma_start3A_38 = arith.constant 960 : i32
      %dma_start3A_39 = tpu.memref_slice %arg5[%dma_start3A_38] : memref<1280xi32, #tpu.memory_space<vmem>> -> memref<320xi32, #tpu.memory_space<vmem>>
      %dma_start3A_40 = arith.constant 0 : i32
      %dma_start3A_41 = arith.constant 0 : i32
      %dma_start3A_42 = tpu.memref_slice %arg2[%dma_start3A_40, %dma_start3A_41] : memref<1000000x64xf32, #tpu.memory_space<hbm>> -> memref<1000000x64xf32, #tpu.memory_space<hbm>>
      tpu.enqueue_indirect_dma source(%dma_start3A_42 : memref<1000000x64xf32, #tpu.memory_space<hbm>>) target(%dma_start3A_37 : memref<320x64xf32, #tpu.memory_space<vmem>>) offsets(%dma_start3A_39 : memref<320xi32, #tpu.memory_space<vmem>>) semaphore(%arg7 : memref<!tpu.dma_semaphore, #tpu.memory_space<semaphore_mem>>)
      %dma_wait3A = arith.constant 0 : i32
      %dma_wait3A_43 = arith.constant 0 : i32
      %dma_wait3A_44 = tpu.memref_slice %arg6[%dma_wait3A, %dma_wait3A_43] : memref<1280x64xf32, #tpu.memory_space<vmem>> -> memref<320x64xf32, #tpu.memory_space<vmem>>
      %dma_wait3A_45 = arith.constant 0 : i32
      %dma_wait3A_46 = tpu.memref_slice %arg5[%dma_wait3A_45] : memref<1280xi32, #tpu.memory_space<vmem>> -> memref<320xi32, #tpu.memory_space<vmem>>
      %dma_wait3A_47 = arith.constant 0 : i32
      %dma_wait3A_48 = arith.constant 0 : i32
      %dma_wait3A_49 = tpu.memref_slice %arg2[%dma_wait3A_47, %dma_wait3A_48] : memref<1000000x64xf32, #tpu.memory_space<hbm>> -> memref<1000000x64xf32, #tpu.memory_space<hbm>>
      tpu.wait_indirect_dma semaphore(%arg7 : memref<!tpu.dma_semaphore, #tpu.memory_space<semaphore_mem>>) src(%dma_wait3A_49 : memref<1000000x64xf32, #tpu.memory_space<hbm>>) dst(%dma_wait3A_44 : memref<320x64xf32, #tpu.memory_space<vmem>>)
      %dma_wait3A_50 = arith.constant 320 : i32
      %dma_wait3A_51 = arith.constant 0 : i32
      %dma_wait3A_52 = tpu.memref_slice %arg6[%dma_wait3A_50, %dma_wait3A_51] : memref<1280x64xf32, #tpu.memory_space<vmem>> -> memref<320x64xf32, #tpu.memory_space<vmem>>
      %dma_wait3A_53 = arith.constant 320 : i32
      %dma_wait3A_54 = tpu.memref_slice %arg5[%dma_wait3A_53] : memref<1280xi32, #tpu.memory_space<vmem>> -> memref<320xi32, #tpu.memory_space<vmem>>
      %dma_wait3A_55 = arith.constant 0 : i32
      %dma_wait3A_56 = arith.constant 0 : i32
      %dma_wait3A_57 = tpu.memref_slice %arg2[%dma_wait3A_55, %dma_wait3A_56] : memref<1000000x64xf32, #tpu.memory_space<hbm>> -> memref<1000000x64xf32, #tpu.memory_space<hbm>>
      tpu.wait_indirect_dma semaphore(%arg7 : memref<!tpu.dma_semaphore, #tpu.memory_space<semaphore_mem>>) src(%dma_wait3A_57 : memref<1000000x64xf32, #tpu.memory_space<hbm>>) dst(%dma_wait3A_52 : memref<320x64xf32, #tpu.memory_space<vmem>>)
      %dma_wait3A_58 = arith.constant 640 : i32
      %dma_wait3A_59 = arith.constant 0 : i32
      %dma_wait3A_60 = tpu.memref_slice %arg6[%dma_wait3A_58, %dma_wait3A_59] : memref<1280x64xf32, #tpu.memory_space<vmem>> -> memref<320x64xf32, #tpu.memory_space<vmem>>
      %dma_wait3A_61 = arith.constant 640 : i32
      %dma_wait3A_62 = tpu.memref_slice %arg5[%dma_wait3A_61] : memref<1280xi32, #tpu.memory_space<vmem>> -> memref<320xi32, #tpu.memory_space<vmem>>
      %dma_wait3A_63 = arith.constant 0 : i32
      %dma_wait3A_64 = arith.constant 0 : i32
      %dma_wait3A_65 = tpu.memref_slice %arg2[%dma_wait3A_63, %dma_wait3A_64] : memref<1000000x64xf32, #tpu.memory_space<hbm>> -> memref<1000000x64xf32, #tpu.memory_space<hbm>>
      tpu.wait_indirect_dma semaphore(%arg7 : memref<!tpu.dma_semaphore, #tpu.memory_space<semaphore_mem>>) src(%dma_wait3A_65 : memref<1000000x64xf32, #tpu.memory_space<hbm>>) dst(%dma_wait3A_60 : memref<320x64xf32, #tpu.memory_space<vmem>>)
      %dma_wait3A_66 = arith.constant 960 : i32
      %dma_wait3A_67 = arith.constant 0 : i32
      %dma_wait3A_68 = tpu.memref_slice %arg6[%dma_wait3A_66, %dma_wait3A_67] : memref<1280x64xf32, #tpu.memory_space<vmem>> -> memref<320x64xf32, #tpu.memory_space<vmem>>
      %dma_wait3A_69 = arith.constant 960 : i32
      %dma_wait3A_70 = tpu.memref_slice %arg5[%dma_wait3A_69] : memref<1280xi32, #tpu.memory_space<vmem>> -> memref<320xi32, #tpu.memory_space<vmem>>
      %dma_wait3A_71 = arith.constant 0 : i32
      %dma_wait3A_72 = arith.constant 0 : i32
      %dma_wait3A_73 = tpu.memref_slice %arg2[%dma_wait3A_71, %dma_wait3A_72] : memref<1000000x64xf32, #tpu.memory_space<hbm>> -> memref<1000000x64xf32, #tpu.memory_space<hbm>>
      tpu.wait_indirect_dma semaphore(%arg7 : memref<!tpu.dma_semaphore, #tpu.memory_space<semaphore_mem>>) src(%dma_wait3A_73 : memref<1000000x64xf32, #tpu.memory_space<hbm>>) dst(%dma_wait3A_68 : memref<320x64xf32, #tpu.memory_space<vmem>>)
      "tpu.region"() ({
        %run_scoped3A = tpu.sem_alloc : memref<!tpu.dma_semaphore, #tpu.memory_space<semaphore_mem>>
        %dma_start3A_74 = arith.constant 0 : i32
        %dma_start3A_75 = tpu.memref_slice %arg4[%add3A_11, %dma_start3A_74] : memref<204800x64xf32, #tpu.memory_space<hbm>> -> memref<1280x64xf32, #tpu.memory_space<hbm>>
        %dma_start3A_76 = arith.constant 0 : i32
        %dma_start3A_77 = tpu.memref_slice %arg4[%add3A_11, %dma_start3A_76] : memref<204800x64xf32, #tpu.memory_space<hbm>> -> memref<1280x64xf32, #tpu.memory_space<hbm>>
        tpu.enqueue_dma source(%arg6 : memref<1280x64xf32, #tpu.memory_space<vmem>>) target(%dma_start3A_77 : memref<1280x64xf32, #tpu.memory_space<hbm>>) target_semaphore(%run_scoped3A : memref<!tpu.dma_semaphore, #tpu.memory_space<semaphore_mem>>)
        %dma_wait3A_78 = arith.constant 0 : i32
        %dma_wait3A_79 = tpu.memref_slice %arg4[%add3A_11, %dma_wait3A_78] : memref<204800x64xf32, #tpu.memory_space<hbm>> -> memref<1280x64xf32, #tpu.memory_space<hbm>>
        %dma_wait3A_80 = arith.constant 0 : i32
        %dma_wait3A_81 = tpu.memref_slice %arg4[%add3A_11, %dma_wait3A_80] : memref<204800x64xf32, #tpu.memory_space<hbm>> -> memref<1280x64xf32, #tpu.memory_space<hbm>>
        tpu.wait_dma2 semaphore(%run_scoped3A : memref<!tpu.dma_semaphore, #tpu.memory_space<semaphore_mem>>) src(%arg6 : memref<1280x64xf32, #tpu.memory_space<vmem>>) dst(%dma_wait3A_81 : memref<1280x64xf32, #tpu.memory_space<hbm>>)
        tpu.yield
      }) : () -> ()
    }
    %scan3A_5 = arith.constant 5 : i32
    return
  }
}

</mosaic_0001>

<sc_bundles>
// kernel: kernel.3.cloned.1.call-start
scs
__scs_entry_jumppad:
0x0: {  	(pc) =	sbr.rel $0x88, $3  }
0x1: {  	(tag) =	ssettag $0x0;
	lr =	simm.s32 $0x1  }
0x2: {  	[smem:$0x3F8F] =	sst lr;
	_ =	strace $0xD0000000  }
0x3: {  	_ = 	snop  }
0x4: {  	_ = 	snop  }
0x5: {  	_ = 	snop  }
0x6: {  	_ = 	snop  }
0x7: {  	_ = 	snop  }
__scs_overlays_trampoline_lowered:
0x8: {  	[smem:$0x3F9E] =	sst s0  }
0x9: {  	[smem:$0x3F9F] =	sst s1  }
0xa: {  	[smem:$0x3FA0] =	sst s2  }
0xb: {  	[smem:$0x3FA1] =	sst s3  }
0xc: {  	[smem:$0x3FA2] =	sst s4  }
0xd: {  	[smem:$0x3FA3] =	sst s5  }
0xe: {  	[smem:$0x3FA4] =	sst s6  }
0xf: {  	[smem:$0x3FA5] =	sst s7  }
0x10: {  	[smem:$0x3FA6] =	sst s8  }
0x11: {  	[smem:$0x3FA7] =	sst s9;
	s0 =	simm.s32 @!p0 $0x0  }
0x12: {  	s1 =	sld [smem:$0x3F8D];
	s0 =	simm.s32 @p0 $0x1  }
0x13: {  	[smem:$0x3FA8] =	sst s0;
	s0 =	simm.s32 @!p1 $0x0  }
0x14: {  	s2 =	sld [smem:$0x3F8C];
	s0 =	simm.s32 @p1 $0x1  }
0x15: {  	[smem:$0x3FA9] =	sst s0;
	s0 =	simm.s32 @!p2 $0x0  }
0x16: {  	s3 =	sld [smem:$0x3FDB];
	s0 =	simm.s32 @p2 $0x1  }
0x17: {  	s4 =	simm.s32 $0x1BF5;
	[smem:$0x3FAB] =	sst s0  }
0x18: {  	s0 =	sld [smem:$0x3F8E];
	_ =	swait.ge [sflag:s4], $0x0  }
0x19: {  	s7 =	sld [smem:$0x3F8F]  }
0x1a: {  	s8 =	sadd.s32 $0xFFFFE003, lr  }
0x1b: {  	s9 =	sadd.s32 $0xFFFFFEF7, lr;
	s5 =	simm.s32 $0xFFFFFFFF;
	p2 =	slt.u32 s8, $0xFFFFF086  }
0x1c: {  	p1 =	slt.u32 s9, $0xF7A;
	s5 =	simm.s32 @!p2 $0x0  }
0x1d: {  	s5 =	simm.s32 @p1 $0x1;
	p0 =	seq.s32 s7, s2  }
0x1e: {  	s7 =	smul.u32 @!p0 $0xF7A, s2;
	p2 =	seq.s32 @!p0 s5, $0x0  }
0x1f: {  	s9 =	smul.u32 $0xF7A, s1;
	s8 =	simm.s32 @!p0 $0x1BF5;
	p2 =	por !p2, p0  }
0x20: {  	[sflag:s8] =	ssyncset.s32 @!p0 $0xFFFFF086;
	s6 =	sadd.s32 @!p0 s3, s7;
	s7 =	simm.s32 @!p0 $0x108  }
0x21: {  	s3 =	sadd.s32 s3, s9;
	s6 =	sadd.s32 @!p0 $0x88, s6;
	s7 =	simm.s32 @p2 $0x1082  }
0x22: {  	[simem:s7], [sflag:s8] =	dma.local @!p0 [hbm:s6], $0xF7A  }
0x23: {  	s9 =	sor.u32 $0xD0000000, s2;
	s6 =	simm.s32 $0x108;
	_ =	swait.ge @!p0 [sflag:s8], $0x0  }
0x24: {  	s3 =	sadd.s32 $0x88, s3;
	s6 =	simm.s32 @!p1 $0x1082;
	[sflag:s4] =	ssyncset.s32 $0xFFFFF086  }
0x25: {  	[simem:s6], [sflag:s4] =	dma.local [hbm:s3], $0xF7A  }
0x26: {  	[smem:$0x3F8F] =	sst s1;
	(tag) =	ssettag s2;
	_ =	strace s9  }
0x27: {  	s1 =	sld [smem:$0x3F9F]  }
0x28: {  	s2 =	sld [smem:$0x3FA0]  }
0x29: {  	s4 =	sld [smem:$0x3FA2]  }
0x2a: {  	p0 =	seq.s32 s5, $0x0;
	s5 =	sld [smem:$0x3FA3]  }
0x2b: {  	s6 =	sld [smem:$0x3FA4]  }
0x2c: {  	s7 =	sld [smem:$0x3FA5]  }
0x2d: {  	s3 =	simm.s32 $0x108;
	s8 =	sld [smem:$0x3FA6]  }
0x2e: {  	s3 =	simm.s32 @!p0 $0x1082;
	s9 =	sld [smem:$0x3FA7]  }
0x2f: {  	lr =	sadd.s32 s0, s3;
	s0 =	sld [smem:$0x3F9E]  }
0x30: {  	s3 =	sld [smem:$0x3FA1]  }
0x31: {  	[smem:$0x3FAA] =	sst s10  }
0x32: {  	s10 =	sld [smem:$0x3FA8];
	_ =	sdelay $0x3  }
0x33: {  	p0 =	seq.s32 s10, $0x1;
	s10 =	sld [smem:$0x3FAA];
	_ =	sdelay $0x3  }
0x34: {  	[smem:$0x3FAA] =	sst s10  }
0x35: {  	s10 =	sld [smem:$0x3FA9];
	_ =	sdelay $0x3  }
0x36: {  	p1 =	seq.s32 s10, $0x1;
	s10 =	sld [smem:$0x3FAA];
	_ =	sdelay $0x3  }
0x37: {  	[smem:$0x3FAA] =	sst s10  }
0x38: {  	s10 =	sld [smem:$0x3FAB]  }
0x39: {  	_ = 	snop;
	(pc) =	sbr.ind lr, $3  }
0x3a: {  	_ = 	snop  }
0x3b: {  	_ = 	snop  }
0x3c: {  	p2 =	seq.s32 s10, $0x1;
	s10 =	sld [smem:$0x3FAA]  }
0x3d: {  	_ =	shalt  }
0x3e: {  	_ =	shalt  }
0x3f: {  	_ =	shalt  }
0x40: {  	_ =	shalt  }
0x41: {  	_ =	shalt  }
0x42: {  	_ =	shalt  }
0x43: {  	_ =	shalt  }
0x44: {  	_ =	shalt  }
0x45: {  	_ =	shalt  }
0x46: {  	_ =	shalt  }
0x47: {  	_ =	shalt  }
0x48: {  	_ =	shalt  }
0x49: {  	_ =	shalt  }
0x4a: {  	_ =	shalt  }
0x4b: {  	_ =	shalt  }
0x4c: {  	_ =	shalt  }
0x4d: {  	_ =	shalt  }
0x4e: {  	_ =	shalt  }
0x4f: {  	_ =	shalt  }
0x50: {  	_ =	shalt  }
0x51: {  	_ =	shalt  }
0x52: {  	_ =	shalt  }
0x53: {  	_ =	shalt  }
0x54: {  	_ =	shalt  }
0x55: {  	_ =	shalt  }
0x56: {  	_ =	shalt  }
0x57: {  	_ =	shalt  }
0x58: {  	_ =	shalt  }
0x59: {  	_ =	shalt  }
0x5a: {  	_ =	shalt  }
0x5b: {  	_ =	shalt  }
0x5c: {  	_ =	shalt  }
0x5d: {  	_ =	shalt  }
0x5e: {  	_ =	shalt  }
0x5f: {  	_ =	shalt  }
0x60: {  	_ =	shalt  }
0x61: {  	_ =	shalt  }
0x62: {  	_ =	shalt  }
0x63: {  	_ =	shalt  }
0x64: {  	_ =	shalt  }
0x65: {  	_ =	shalt  }
0x66: {  	_ =	shalt  }
0x67: {  	_ =	shalt  }
0x68: {  	_ =	shalt  }
0x69: {  	_ =	shalt  }
0x6a: {  	_ =	shalt  }
0x6b: {  	_ =	shalt  }
0x6c: {  	_ =	shalt  }
0x6d: {  	_ =	shalt  }
0x6e: {  	_ =	shalt  }
0x6f: {  	_ =	shalt  }
0x70: {  	_ =	shalt  }
0x71: {  	_ =	shalt  }
0x72: {  	_ =	shalt  }
0x73: {  	_ =	shalt  }
0x74: {  	_ =	shalt  }
0x75: {  	_ =	shalt  }
0x76: {  	_ =	shalt  }
0x77: {  	_ =	shalt  }
0x78: {  	_ =	shalt  }
0x79: {  	_ =	shalt  }
0x7a: {  	_ =	shalt  }
0x7b: {  	_ =	shalt  }
0x7c: {  	_ =	shalt  }
0x7d: {  	_ =	shalt  }
0x7e: {  	_ =	shalt  }
0x7f: {  	_ =	shalt  }
0x80: {  	_ =	shalt  }
0x81: {  	_ =	shalt  }
0x82: {  	_ =	shalt  }
0x83: {  	_ =	shalt  }
0x84: {  	_ =	shalt  }
0x85: {  	_ =	shalt  }
0x86: {  	_ =	shalt  }
0x87: {  	_ =	shalt  }
.Lfunc_end0:
.L_simem_size_0:
called_computation_lowered:
.L_overlay_start_0:
0x88: {  	s2 =	sld [smem:$0x3FD9]  }
0x89: {  	s3 =	sld [smem:$0x3FFE];
	_ =	sdelay $0x1  }
0x8a: {  	s1 =	srdreg.scid  }
0x8b: {  	s0 =	sand.u32 $0x1, s1  }
0x8c: {  	s16 =	sshll.u32 s0, $0xA;
	s2 =	sadd.s32 s3, s2  }
0x8d: {  	s2 =	sadd.s32 s2, s16  }
0x8e: {  	[smem:$0x3FB6] =	sst s2  }
0x8f: {  	_ = 	snop  }
0x90: {  	(tm) =	ssettm $0x1  }
0x91: {  	s17 =	sld [smem:$0x3FFB];
	_ =	sdelay $0x3  }
0x92: {  	_ =	strace s17  }
0x93: {  	s2 =	sld [smem:$0x3FFC];
	_ =	sdelay $0x3  }
0x94: {  	_ =	strace s2  }
0x95: {  	s2 =	sld [smem:$0x3FFD];
	_ =	sdelay $0x3  }
0x96: {  	_ =	strace s2  }
0x97: {  	_ =	strace $0x8FFFFFFF  }
0x98: {  	s18 =	sld [smem:$0x3FDB];
	_ =	sdelay $0x1  }
0x99: {  	s19 =	simm.s32 $_scs_section_size  }
0x9a: {  	s4 =	simm.s32 $_size__tile_overlayer_lowered;
	s5 =	simm.s32 $_tile_overlayer_lowered  }
0x9b: {  	s22 =	simm.s32 $0x1BFF;
	s21 =	sshll.u32 s5, $0x1;
	s2 =	sadd.s32 s19, s18  }
0x9c: {  	s6 =	simm.s32 $0x0;
	s20 =	sshll.u32 s4, $0x1;
	s4 =	sadd.s32 s21, s2  }
0x9d: {  	[timem:s6], [sflag:s22] =	dma.local [hbm:s4], s20  }
0x9e: {  	_ =	swait.ge [sflag:s22], s20  }
0x9f: {  	s3 =	ssub.s32 $0x0, s20;
	[sflag:s22] =	ssyncset.done $0x0  }
0xa0: {  	[sflag:s22] =	ssyncadd.s32 s3;
	_ =	sdelay $0x1  }
0xa1: {  	s23 =	simm.s32 $0x1B8B  }
0xa2: {  	_ =	swait.ge [sflag:s23], $0x1  }
0xa3: {  	[sflag:s23] =	ssyncset.done $0x0  }
0xa4: {  	s25 =	simm.s32 $0x1B8E;
	s24 =	sld [smem:$0x3FFE];
	[sflag:s23] =	ssyncadd.s32 $0xFFFFFFFF  }
0xa5: {  	s26 =	simm.s32 $execute0_lowered;
	[smem:$0x3FD2] =	sst s25  }
0xa6: {  	s4 =	sshll.u32 s26, $0x1;
	_ =	strace $0x80000046;
	[dreg:$0x1] =	wrdreg $0xFFFFFFFF  }
0xa7: {  	s28 =	simm.s32 $_size_execute0_lowered;
	s2 =	sadd.s32 s2, s4;
	[dreg:$0x0] =	wrdreg $0x0  }
0xa8: {  	s4 =	sshll.u32 s28, $0x1;
	[dreg:$0x2] =	wrdreg s2  }
0xa9: {  	[dreg:$0x3] =	wrdreg s4  }
0xaa: {  	[dreg:$0x4] =	wrdreg $0xC0  }
0xab: {  	_ =	task [dreg:s6], $0x5FFFF  }
0xac: {  	[dreg:$0x1] =	wrdreg $0xFFFFFFFF  }
0xad: {  	[dreg:$0x0] =	wrdreg $0x60  }
0xae: {  	[dreg:$0x2] =	wrdreg s24  }
0xaf: {  	[dreg:$0x3] =	wrdreg $0x9  }
0xb0: {  	_ =	task.clear_ibuf [dreg:s6], $0x4FFFF;
	_ =	strace $0x90000046  }
0xb1: {  	s29 =	simm.s32 $0x9;
	_ =	strace $0x80000048  }
0xb2: {  	_ =	swait.ge [sflag:s29], $0x1  }
0xb3: {  	[sflag:s29] =	ssyncadd.s32 $0xFFFFFFFF  }
0xb4: {  	_ =	strace $0x90000048  }
0xb5: {  	_ =	sfence  }
0xb6: {  	s30 =	sld [smem:$0x0];
	_ =	sdelay $0x2  }
0xb7: {  	s31 =	sshll.u32 s1, $0xD;
	s1 =	sshrl.u32 s1, $0x2  }
0xb8: {  	s3 =	sand.u32 $0x4000, s31;
	s1 =	sadd.s32 s1, s30  }
0xb9: {  	s0 =	sor.u32 s3, s0;
	s1 =	sshll.u32 s1, $0x11  }
0xba: {  	s0 =	sor.u32 s1, s0  }
0xbb: {  	s0 =	sadd.s32 $0x8F2B, s0  }
0xbc: {  	[sflag:s0] =	ssyncadd.remote.s32 $0x1  }
0xbd: {  	_ =	sfence.sel $0xFFFF  }
0xbe: {  	[dreg:$0x0] =	wrdreg $0xFFFFFFFF;
	(pc) =	sbr.abs _section_cstart, $3  }
0xbf: {  	[dreg:$0x1] =	wrdreg $0xFFFFFFFF  }
0xc0: {  	_ =	task.clear_ibuf [dreg:s6], $0x2FFFF;
	_ =	strace $0x9FFFFFFF  }
0xc1: {  	(tm) =	ssettm $0x7FFFFFFF  }
tec
execute0_lowered:
.L_overlay_start_1:
0x0: {  	(tag) =	ssettag $0x1  }
0x1: {  	s4 =	rddreg [dreg:$0x0]  }
0x2: {  	s0 =	rddreg [dreg:$0x1];
	s2 =	simm.s32 $0x0;
	s3 =	srdreg.scid  }
0x3: {  	s1 =	stileid.u32;
	s10 =	simm.s32 $0x5500;
	s11 =	simm.s32 $0x280  }
0x4: {  	s12 =	simm.s32 $0xA500;
	s13 =	simm.s32 $0x3C0;
	s14 =	simm.s32 $0xF500  }
0x5: {  	s15 =	simm.s32 $0x1;
	s16 =	simm.s32 $0x0;
	s6 =	smul.u32 $0x3200, s1  }
0x6: {  	[smem:$0x7FF] =	sst s2;
	s5 =	sand.u32 $0x1, s3;
	s8 =	smul.u32 $0x19000, s1  }
0x7: {  	s3 =	sadd.s32 $0xF49000, s4;
	s7 =	smul.u32 $0x1900, s5;
	s9 =	ssub.s32 $0x2, s5  }
0x8: {  	_ =	strace $0x80000047;
	s5 =	smul.u32 $0xC800, s5;
	s31 =	sshrl.u32 s9, $0x1  }
0x9: {  	s8 =	sadd.s32 s8, s4;
	s6 =	sadd.s32 s7, s6;
	s7 =	ssub.s32 s9, s31  }
0xa: {  	s5 =	sadd.s32 s5, s8;
	s8 =	simm.s32 $0x140;
	s6 =	sshrl.u32 s6, $0x3  }
0xb: {  	s9 =	simm.s32 $0x500;
	s5 =	sadd.s32 $0xD000, s5;
	s6 =	sadd.s32 s6, s4  }
0xc: {  	s4 =	smax.u32 s7, $0x1;
	s7 =	simm.s32 $0x2;
	s6 =	sadd.s32 $0x6C00, s6  }
.LBB2_1:
0xd: {  	s17 =	sadd.s32 $0x0, s6  }
0xe: {  	[tilespmem:s2], [sflag:$0x2] =	stream.linear.gather [hbm4b:s17+s2], $0x500, $0x38;
	[tilespmem:$0x14500] =	vst v63  }
0xf: {  	_ =	swait.ge [sflag:s7], $0x500  }
0x10: {  	[sflag:s7] =	ssyncset.done $0x0  }
0x11: {  	[sflag:s7] =	ssyncadd.s32 $0xFFFFFB00  }
0x12: {  	[tilespmem:s9], [sflag:$0x1] =	stream.indirect.gather [hbm4b:s3+s8], $0x40, s2, s8, $0xb8;
	[tilespmem:$0x14500] =	vst v63  }
0x13: {  	_ = 	snop  }
0x14: {  	[tilespmem:s10], [sflag:$0x1] =	stream.indirect.gather [hbm4b:s3+s8], $0x40, s8, s8, $0xb8;
	[tilespmem:$0x14500] =	vst v63  }
0x15: {  	_ = 	snop  }
0x16: {  	[tilespmem:s12], [sflag:$0x1] =	stream.indirect.gather [hbm4b:s3+s8], $0x40, s11, s8, $0xb8;
	[tilespmem:$0x14500] =	vst v63  }
0x17: {  	_ = 	snop  }
0x18: {  	[tilespmem:s14], [sflag:$0x1] =	stream.indirect.gather [hbm4b:s3+s8], $0x40, s13, s8, $0xb8;
	[tilespmem:$0x14500] =	vst v63  }
0x19: {  	_ =	swait.ge [sflag:s15], $0x5000  }
0x1a: {  	[sflag:s15] =	ssyncset.done $0x0  }
0x1b: {  	[sflag:s15] =	ssyncadd.s32 $0xFFFFB000  }
0x1c: {  	_ =	swait.ge [sflag:s15], $0x5000  }
0x1d: {  	[sflag:s15] =	ssyncset.done $0x0  }
0x1e: {  	[sflag:s15] =	ssyncadd.s32 $0xFFFFB000  }
0x1f: {  	_ =	swait.ge [sflag:s15], $0x5000  }
0x20: {  	[sflag:s15] =	ssyncset.done $0x0  }
0x21: {  	[sflag:s15] =	ssyncadd.s32 $0xFFFFB000  }
0x22: {  	_ =	swait.ge [sflag:s15], $0x5000  }
0x23: {  	[sflag:s15] =	ssyncset.done $0x0  }
0x24: {  	[sflag:s15] =	ssyncadd.s32 $0xFFFFB000  }
0x25: {  	[hbm4b:s5+s2] =	stream.linear.scatter [tilespmem:s9], [sflag:$0x2], $0x14000, $0x38;
	[tilespmem:$0x14500] =	vst v63  }
0x26: {  	s18 =	simm.s32 $0xA0;
	_ =	swait.ge [sflag:s7], $0x14000  }
0x27: {  	s19 =	simm.s32 $0x140;
	s17 =	sadd.s32 $0x2800, s5;
	[sflag:s7] =	ssyncset.done $0x0  }
.LBB2_2:
0x28: {  	s20 =	sadd.s32 s18, s6  }
0x29: {  	[sflag:s7] =	ssyncadd.s32 $0xFFFEC000;
	s18 =	smov.u32 s19;
	s21 =	sadd.s32 $0xA0, s19  }
0x2a: {  	[tilespmem:s2], [sflag:$0x2] =	stream.linear.gather [hbm4b:s20+s2], $0x500, $0x38;
	[tilespmem:$0x14500] =	vst v63  }
0x2b: {  	p0 =	sne.s32 s19, $0x280;
	_ =	swait.ge [sflag:s7], $0x500  }
0x2c: {  	[sflag:s7] =	ssyncset.done $0x0  }
0x2d: {  	[sflag:s7] =	ssyncadd.s32 $0xFFFFFB00  }
0x2e: {  	[tilespmem:s9], [sflag:$0x1] =	stream.indirect.gather [hbm4b:s3+s8], $0x40, s2, s8, $0xb8;
	[tilespmem:$0x14500] =	vst v63  }
0x2f: {  	_ = 	snop  }
0x30: {  	[tilespmem:s10], [sflag:$0x1] =	stream.indirect.gather [hbm4b:s3+s8], $0x40, s8, s8, $0xb8;
	[tilespmem:$0x14500] =	vst v63  }
0x31: {  	_ = 	snop  }
0x32: {  	[tilespmem:s12], [sflag:$0x1] =	stream.indirect.gather [hbm4b:s3+s8], $0x40, s11, s8, $0xb8;
	[tilespmem:$0x14500] =	vst v63  }
0x33: {  	_ = 	snop  }
0x34: {  	[tilespmem:s14], [sflag:$0x1] =	stream.indirect.gather [hbm4b:s3+s8], $0x40, s13, s8, $0xb8;
	[tilespmem:$0x14500] =	vst v63  }
0x35: {  	_ =	swait.ge [sflag:s15], $0x5000  }
0x36: {  	[sflag:s15] =	ssyncset.done $0x0  }
0x37: {  	[sflag:s15] =	ssyncadd.s32 $0xFFFFB000  }
0x38: {  	_ =	swait.ge [sflag:s15], $0x5000  }
0x39: {  	[sflag:s15] =	ssyncset.done $0x0  }
0x3a: {  	[sflag:s15] =	ssyncadd.s32 $0xFFFFB000  }
0x3b: {  	_ =	swait.ge [sflag:s15], $0x5000  }
0x3c: {  	[sflag:s15] =	ssyncset.done $0x0  }
0x3d: {  	[sflag:s15] =	ssyncadd.s32 $0xFFFFB000  }
0x3e: {  	_ =	swait.ge [sflag:s15], $0x5000  }
.Ltmp0:
0x3f: {  	[sflag:s15] =	ssyncset.done $0x0;
	(pc) =	sbr.rel @p0 .LBB2_2-.Ltmp0, $4  }
0x40: {  	[sflag:s15] =	ssyncadd.s32 $0xFFFFB000  }
0x41: {  	[hbm4b:s17+s2] =	stream.linear.scatter [tilespmem:s9], [sflag:$0x2], $0x14000, $0x38;
	[tilespmem:$0x14500] =	vst v63  }
0x42: {  	_ =	swait.ge [sflag:s7], $0x14000  }
0x43: {  	s19 =	smov.u32 s21;
	s17 =	sadd.s32 $0x2800, s17;
	[sflag:s7] =	ssyncset.done $0x0  }
0x44: {  	s18 =	sadd.s32 s18, s6;
	[sflag:s7] =	ssyncadd.s32 $0xFFFEC000  }
0x45: {  	[tilespmem:s2], [sflag:$0x2] =	stream.linear.gather [hbm4b:s18+s2], $0x500, $0x38;
	[tilespmem:$0x14500] =	vst v63  }
0x46: {  	_ =	swait.ge [sflag:s7], $0x500  }
0x47: {  	[sflag:s7] =	ssyncset.done $0x0  }
0x48: {  	[sflag:s7] =	ssyncadd.s32 $0xFFFFFB00  }
0x49: {  	[tilespmem:s9], [sflag:$0x1] =	stream.indirect.gather [hbm4b:s3+s8], $0x40, s2, s8, $0xb8;
	[tilespmem:$0x14500] =	vst v63  }
0x4a: {  	_ = 	snop  }
0x4b: {  	[tilespmem:s10], [sflag:$0x1] =	stream.indirect.gather [hbm4b:s3+s8], $0x40, s8, s8, $0xb8;
	[tilespmem:$0x14500] =	vst v63  }
0x4c: {  	_ = 	snop  }
0x4d: {  	[tilespmem:s12], [sflag:$0x1] =	stream.indirect.gather [hbm4b:s3+s8], $0x40, s11, s8, $0xb8;
	[tilespmem:$0x14500] =	vst v63  }
0x4e: {  	_ = 	snop  }
0x4f: {  	[tilespmem:s14], [sflag:$0x1] =	stream.indirect.gather [hbm4b:s3+s8], $0x40, s13, s8, $0xb8;
	[tilespmem:$0x14500] =	vst v63  }
0x50: {  	_ =	swait.ge [sflag:s15], $0x5000  }
0x51: {  	[sflag:s15] =	ssyncset.done $0x0  }
0x52: {  	[sflag:s15] =	ssyncadd.s32 $0xFFFFB000  }
0x53: {  	_ =	swait.ge [sflag:s15], $0x5000  }
0x54: {  	[sflag:s15] =	ssyncset.done $0x0  }
0x55: {  	[sflag:s15] =	ssyncadd.s32 $0xFFFFB000  }
0x56: {  	_ =	swait.ge [sflag:s15], $0x5000  }
0x57: {  	[sflag:s15] =	ssyncset.done $0x0  }
0x58: {  	[sflag:s15] =	ssyncadd.s32 $0xFFFFB000  }
0x59: {  	s16 =	sadd.s32 $0x1, s16;
	_ =	swait.ge [sflag:s15], $0x5000  }
0x5a: {  	p0 =	sne.s32 s16, s4;
	[sflag:s15] =	ssyncset.done $0x0  }
.Ltmp1:
0x5b: {  	[sflag:s15] =	ssyncadd.s32 $0xFFFFB000;
	(pc) =	sbr.rel @p0 .LBB2_1-.Ltmp1, $4  }
0x5c: {  	[hbm4b:s17+s2] =	stream.linear.scatter [tilespmem:s9], [sflag:$0x2], $0x14000, $0x38;
	[tilespmem:$0x14500] =	vst v63  }
0x5d: {  	_ =	swait.ge [sflag:s7], $0x14000  }
0x5e: {  	[sflag:s7] =	ssyncset.done $0x0  }
0x5f: {  	[sflag:s7] =	ssyncadd.s32 $0xFFFEC000  }
0x60: {  	_ =	sfence.sel $0x180000  }
0x61: {  	[bflag:$0x0] =	sbarrier.arrive $0xFFFF  }
0x62: {  	p0 =	sne.s32 s1, $0x0;
	_ =	strace $0x90000047  }
0x63: {  	s0 =	sadd.s32 @!p0 $0x100000, s0;
	[bflag:$0x2] =	sbarrier.arrive $0xFFFF  }
0x64: {  	[sflag:s0] =	ssyncadd.tile.s32 @!p0 $0x1;
	_ =	shalt  }
.Lfunc_end2:
_tile_overlayer_lowered:
.L_overlay_start_2:
0x65: {  	(tag) =	ssettag $0x2  }
0x66: {  	s0 =	rddreg [dreg:$0x0];
	s2 =	stileid.u32  }
0x67: {  	s1 =	rddreg [dreg:$0x1];
	p0 =	sne.s32 s2, $0x0  }
0x68: {  	s3 =	rddreg [dreg:$0x2];
	[bflag:$0x3] =	sbarrier.arrive $0xFFFF;
	s2 =	simm.s32 @!p0 $0x1C02  }
0x69: {  	[timem:s3], [sflag:s2] =	dma.local @!p0 [hbm:s0], s1  }
0x6a: {  	s0 =	simm.s32 @!p0 $0x2  }
0x6b: {  	_ =	swait.ge @!p0 [sflag:s0], s1  }
0x6c: {  	s1 =	ssub.s32 @!p0 $0x0, s1;
	[sflag:s0] =	ssyncset.done @!p0 $0x0  }
0x6d: {  	[sflag:s0] =	ssyncadd.s32 @!p0 s1  }
0x6e: {  	[bflag:$0x3] =	sbarrier.arrive $0xFFFF  }
0x6f: {  	_ =	shalt  }

</sc_bundles>
